<compile_context>
chip_gen: v7x
topology: tpu7x:2x2x1
jax: 0.10.2.dev20260603
libtpu: 0.0.44.dev20260713+nightly
codegen_flags: <defaults>
</compile_context>

<pallas_src>
import functools

import jax
import jax.numpy as jnp
from jax import lax
from jax.experimental import pallas as pl
from jax.experimental.pallas import tpu as pltpu
from jax.experimental.pallas import tpu_sc as plsc

EPS = 1e-12
B = 1024
V = 100000
S = 200
L = 16
TR, TCW = 8, 128

_NC, _NS = 2, 16
_NW = _NC * _NS
_BPW = B // _NW


def _sc_gather_select(pv_t, ad_t, pg, tidx, cidx):
    mesh = plsc.VectorSubcoreMesh(core_axis_name="c", subcore_axis_name="s")

    @functools.partial(
        pl.kernel,
        mesh=mesh,
        compiler_params=pltpu.CompilerParams(
            needs_layout_passes=False,
            skip_device_barrier=True,
            disable_bounds_checks=True,
            disable_semaphore_checks=True,
        ),
        out_type=jax.ShapeDtypeStruct((B,), jnp.float32),
        scratch_types=[
            pltpu.VMEM((_BPW,), jnp.int32),
            pltpu.VMEM((_BPW,), jnp.int32),
            pltpu.VMEM((_BPW,), jnp.float32),
            pltpu.VMEM((_BPW, TCW), jnp.float32),
            pltpu.VMEM((_BPW, TCW), jnp.float32),
            pltpu.VMEM((_BPW,), jnp.float32),
            pltpu.SemaphoreType.DMA,
        ],
    )
    def k(pv_hbm, ad_hbm, pg_hbm, tidx_hbm, cidx_hbm, out_hbm,
          tidx_v, cidx_v, pg_v, win_v, att_v, a_v, sem):
        wid = lax.axis_index("s") * _NC + lax.axis_index("c")
        base = wid * _BPW
        colt = pl.multiple_of((base >> 7) << 7, TCW)
        colbase = base & (TCW - 1)

        cpt = pltpu.async_copy(tidx_hbm.at[pl.ds(base, _BPW)], tidx_v, sem)
        cpc = pltpu.async_copy(cidx_hbm.at[pl.ds(base, _BPW)], cidx_v, sem)
        cpp = pltpu.async_copy(pg_hbm.at[pl.ds(base, _BPW)], pg_v, sem)
        cpt.wait()
        cpc.wait()
        cpp.wait()

        cp0 = pltpu.async_copy(
            pv_hbm.at[tidx_v, pl.ds(colt, TCW)], win_v, sem)
        cp1 = pltpu.async_copy(
            ad_hbm.at[cidx_v, pl.ds(colt, TCW)], att_v, sem)
        cp0.wait()
        cp1.wait()

        for kk in range(_BPW // L):
            sl = pl.ds(kk * L, L)
            rows = kk * L + lax.iota(jnp.int32, L)
            cols = colbase + rows
            tv = tidx_v[sl]
            cv = cidx_v[sl]
            pgv = pg_v[sl]
            pv16 = plsc.load_gather(win_v, [rows, cols])
            pc16 = plsc.load_gather(att_v, [rows, cols])
            gen = pgv * pv16 + EPS
            cpy = (1.0 - pgv) * pc16 + EPS
            a_v[sl] = jnp.where(tv < V, gen, cpy)

        pltpu.sync_copy(a_v, out_hbm.at[pl.ds(base, _BPW)])

    return k(pv_t, ad_t, pg, tidx, cidx)


def _tc_neg_mean_log(a):
    def body(a_ref, o_ref):
        x = a_ref[...]
        o_ref[0, 0] = -jnp.sum(jnp.log(x)) * (1.0 / B)

    out = pl.pallas_call(
        body,
        out_shape=jax.ShapeDtypeStruct((1, 1), jnp.float32),
        in_specs=[pl.BlockSpec(memory_space=pltpu.VMEM)],
        out_specs=pl.BlockSpec(memory_space=pltpu.SMEM),
    )(a.reshape(8, B // 8))
    return out[0, 0]


def kernel(P_vocab, attn_dist, p_gen, target_idx, copy_idx):
    pg = p_gen.reshape(B)
    tidx = target_idx.astype(jnp.int32)
    cidx = copy_idx.astype(jnp.int32)
    a = _sc_gather_select(P_vocab.T, attn_dist.T, pg, tidx, cidx)
    return _tc_neg_mean_log(a)

# --- scband reference (transcript-rebuilt; emitter-appended) ---
"""Pipeline reference for scband-pointer-generator-loss-32427003085179 (READ-ONLY COPY).

The authoritative reference and input builder live on the scoring server;
editing this copy changes nothing except your own understanding.
"""

import jax, jax.numpy as jnp
import numpy as np

EPS = 1e-12

def setup_inputs(seed: int = 0) -> dict:
    key = jax.random.key(seed)
    k1, k2, k3, k4, k5 = jax.random.split(key, 5)
    B, V, S = 1024, 100000, 200
    P_vocab = jax.random.uniform(k1, (B, V), dtype=jnp.float32)
    attn_dist = jax.random.uniform(k2, (B, S), dtype=jnp.float32)
    p_gen = jax.random.uniform(k3, (B, 1), dtype=jnp.float32)
    target_idx = jax.random.randint(k4, (B,), 0, V, dtype=jnp.int64) if jax.config.jax_enable_x64 else jax.random.randint(k4, (B,), 0, V, dtype=jnp.int32)
    copy_idx = jax.random.randint(k5, (B,), 0, S, dtype=jnp.int32)
    return {"P_vocab": P_vocab, "attn_dist": attn_dist, "p_gen": p_gen, "target_idx": target_idx, "copy_idx": copy_idx}

def reference(P_vocab, attn_dist, p_gen, target_idx, copy_idx):
    vocab_size = P_vocab.shape[1]
    P_vocab_selected = jnp.take_along_axis(P_vocab, target_idx[:, None], axis=1)[:, 0]
    P_copy_selected = jnp.take_along_axis(attn_dist, copy_idx[:, None], axis=1)[:, 0]
    g = (target_idx < vocab_size).astype(jnp.float32)
    pg = p_gen[:, 0]
    gen_term = g * jnp.log(pg * P_vocab_selected + EPS)
    copy_term = (1.0 - g) * jnp.log((1.0 - pg) * P_copy_selected + EPS)
    loss = -(gen_term + copy_term)
    return jnp.mean(loss)

if __name__ == "__main__":
    import jax
    _d = setup_inputs()
    print(jax.jit(kernel)(*tuple(_d.values())))

</pallas_src>

<mosaic_0001>
#map = affine_map<(d0, d1) -> (0, 0)>
#map1 = affine_map<(d0, d1) -> (0)>
module attributes {stable_mosaic.version = 14 : i64} {
  func.func @k(%arg0: i32, %arg1: i32, %arg2: memref<100000x1024xf32, #tpu.memory_space<hbm>>, %arg3: memref<200x1024xf32, #tpu.memory_space<hbm>>, %arg4: memref<1024xf32, #tpu.memory_space<hbm>>, %arg5: memref<1024xi32, #tpu.memory_space<hbm>>, %arg6: memref<1024xi32, #tpu.memory_space<hbm>>, %arg7: memref<1024xf32, #tpu.memory_space<hbm>>, %arg8: memref<32xi32, #tpu.memory_space<vmem>>, %arg9: memref<32xi32, #tpu.memory_space<vmem>>, %arg10: memref<32xf32, #tpu.memory_space<vmem>>, %arg11: memref<32x128xf32, #tpu.memory_space<vmem>>, %arg12: memref<32x128xf32, #tpu.memory_space<vmem>>, %arg13: memref<32xf32, #tpu.memory_space<vmem>>, %arg14: memref<!tpu.dma_semaphore, #tpu.memory_space<semaphore_mem>>) attributes {dimension_semantics = [#tpu.dimension_semantics<core_parallel>, #tpu.dimension_semantics<subcore_parallel>], iteration_bounds = array<i64: 2, 16>, scalar_prefetch = 0 : i64, scratch_operands = 7 : i64, tpu.core_type = #tpu.core_type<sc_vector_subcore>, window_params = [{transform_indices = #map}, {transform_indices = #map}, {transform_indices = #map1}, {transform_indices = #map1}, {transform_indices = #map1}, {transform_indices = #map1}]} {
    %mul3A = arith.constant 2 : i32
    %mul3A_0 = arith.muli %arg1, %mul3A : i32
    %add3A = arith.addi %mul3A_0, %arg0 : i32
    %mul3A_1 = arith.constant 32 : i32
    %mul3A_2 = arith.muli %add3A, %mul3A_1 : i32
    %shift_right_arithmetic3A = arith.constant 7 : i32
    %shift_right_arithmetic3A_3 = arith.shrsi %mul3A_2, %shift_right_arithmetic3A : i32
    %shift_left3A = arith.constant 7 : i32
    %shift_left3A_4 = arith.shli %shift_right_arithmetic3A_3, %shift_left3A : i32
    %multiple_of3A = tpu.assume_multiple %shift_left3A_4, 128 : i32
    %and3A = arith.constant 127 : i32
    %and3A_5 = arith.andi %mul3A_2, %and3A : i32
    %dma_start3A = tpu.memref_slice %arg5[%mul3A_2] : memref<1024xi32, #tpu.memory_space<hbm>> -> memref<32xi32, #tpu.memory_space<hbm>>
    %dma_start3A_6 = tpu.memref_slice %arg5[%mul3A_2] : memref<1024xi32, #tpu.memory_space<hbm>> -> memref<32xi32, #tpu.memory_space<hbm>>
    tpu.enqueue_dma source(%dma_start3A_6 : memref<32xi32, #tpu.memory_space<hbm>>) target(%arg8 : memref<32xi32, #tpu.memory_space<vmem>>) target_semaphore(%arg14 : memref<!tpu.dma_semaphore, #tpu.memory_space<semaphore_mem>>)
    %dma_start3A_7 = tpu.memref_slice %arg6[%mul3A_2] : memref<1024xi32, #tpu.memory_space<hbm>> -> memref<32xi32, #tpu.memory_space<hbm>>
    %dma_start3A_8 = tpu.memref_slice %arg6[%mul3A_2] : memref<1024xi32, #tpu.memory_space<hbm>> -> memref<32xi32, #tpu.memory_space<hbm>>
    tpu.enqueue_dma source(%dma_start3A_8 : memref<32xi32, #tpu.memory_space<hbm>>) target(%arg9 : memref<32xi32, #tpu.memory_space<vmem>>) target_semaphore(%arg14 : memref<!tpu.dma_semaphore, #tpu.memory_space<semaphore_mem>>)
    %dma_start3A_9 = tpu.memref_slice %arg4[%mul3A_2] : memref<1024xf32, #tpu.memory_space<hbm>> -> memref<32xf32, #tpu.memory_space<hbm>>
    %dma_start3A_10 = tpu.memref_slice %arg4[%mul3A_2] : memref<1024xf32, #tpu.memory_space<hbm>> -> memref<32xf32, #tpu.memory_space<hbm>>
    tpu.enqueue_dma source(%dma_start3A_10 : memref<32xf32, #tpu.memory_space<hbm>>) target(%arg10 : memref<32xf32, #tpu.memory_space<vmem>>) target_semaphore(%arg14 : memref<!tpu.dma_semaphore, #tpu.memory_space<semaphore_mem>>)
    %dma_wait3A = tpu.memref_slice %arg5[%mul3A_2] : memref<1024xi32, #tpu.memory_space<hbm>> -> memref<32xi32, #tpu.memory_space<hbm>>
    %dma_wait3A_11 = tpu.memref_slice %arg5[%mul3A_2] : memref<1024xi32, #tpu.memory_space<hbm>> -> memref<32xi32, #tpu.memory_space<hbm>>
    tpu.wait_dma2 semaphore(%arg14 : memref<!tpu.dma_semaphore, #tpu.memory_space<semaphore_mem>>) src(%dma_wait3A_11 : memref<32xi32, #tpu.memory_space<hbm>>) dst(%arg8 : memref<32xi32, #tpu.memory_space<vmem>>)
    %dma_wait3A_12 = tpu.memref_slice %arg6[%mul3A_2] : memref<1024xi32, #tpu.memory_space<hbm>> -> memref<32xi32, #tpu.memory_space<hbm>>
    %dma_wait3A_13 = tpu.memref_slice %arg6[%mul3A_2] : memref<1024xi32, #tpu.memory_space<hbm>> -> memref<32xi32, #tpu.memory_space<hbm>>
    tpu.wait_dma2 semaphore(%arg14 : memref<!tpu.dma_semaphore, #tpu.memory_space<semaphore_mem>>) src(%dma_wait3A_13 : memref<32xi32, #tpu.memory_space<hbm>>) dst(%arg9 : memref<32xi32, #tpu.memory_space<vmem>>)
    %dma_wait3A_14 = tpu.memref_slice %arg4[%mul3A_2] : memref<1024xf32, #tpu.memory_space<hbm>> -> memref<32xf32, #tpu.memory_space<hbm>>
    %dma_wait3A_15 = tpu.memref_slice %arg4[%mul3A_2] : memref<1024xf32, #tpu.memory_space<hbm>> -> memref<32xf32, #tpu.memory_space<hbm>>
    tpu.wait_dma2 semaphore(%arg14 : memref<!tpu.dma_semaphore, #tpu.memory_space<semaphore_mem>>) src(%dma_wait3A_15 : memref<32xf32, #tpu.memory_space<hbm>>) dst(%arg10 : memref<32xf32, #tpu.memory_space<vmem>>)
    %dma_start3A_16 = arith.constant 0 : i32
    %dma_start3A_17 = tpu.memref_slice %arg2[%dma_start3A_16, %multiple_of3A] : memref<100000x1024xf32, #tpu.memory_space<hbm>> -> memref<100000x128xf32, #tpu.memory_space<hbm>>
    tpu.enqueue_indirect_dma source(%dma_start3A_17 : memref<100000x128xf32, #tpu.memory_space<hbm>>) target(%arg11 : memref<32x128xf32, #tpu.memory_space<vmem>>) offsets(%arg8 : memref<32xi32, #tpu.memory_space<vmem>>) semaphore(%arg14 : memref<!tpu.dma_semaphore, #tpu.memory_space<semaphore_mem>>)
    %dma_start3A_18 = arith.constant 0 : i32
    %dma_start3A_19 = tpu.memref_slice %arg3[%dma_start3A_18, %multiple_of3A] : memref<200x1024xf32, #tpu.memory_space<hbm>> -> memref<200x128xf32, #tpu.memory_space<hbm>>
    tpu.enqueue_indirect_dma source(%dma_start3A_19 : memref<200x128xf32, #tpu.memory_space<hbm>>) target(%arg12 : memref<32x128xf32, #tpu.memory_space<vmem>>) offsets(%arg9 : memref<32xi32, #tpu.memory_space<vmem>>) semaphore(%arg14 : memref<!tpu.dma_semaphore, #tpu.memory_space<semaphore_mem>>)
    %dma_wait3A_20 = arith.constant 0 : i32
    %dma_wait3A_21 = tpu.memref_slice %arg2[%dma_wait3A_20, %multiple_of3A] : memref<100000x1024xf32, #tpu.memory_space<hbm>> -> memref<100000x128xf32, #tpu.memory_space<hbm>>
    tpu.wait_indirect_dma semaphore(%arg14 : memref<!tpu.dma_semaphore, #tpu.memory_space<semaphore_mem>>) src(%dma_wait3A_21 : memref<100000x128xf32, #tpu.memory_space<hbm>>) dst(%arg11 : memref<32x128xf32, #tpu.memory_space<vmem>>)
    %dma_wait3A_22 = arith.constant 0 : i32
    %dma_wait3A_23 = tpu.memref_slice %arg3[%dma_wait3A_22, %multiple_of3A] : memref<200x1024xf32, #tpu.memory_space<hbm>> -> memref<200x128xf32, #tpu.memory_space<hbm>>
    tpu.wait_indirect_dma semaphore(%arg14 : memref<!tpu.dma_semaphore, #tpu.memory_space<semaphore_mem>>) src(%dma_wait3A_23 : memref<200x128xf32, #tpu.memory_space<hbm>>) dst(%arg12 : memref<32x128xf32, #tpu.memory_space<vmem>>)
    %iota3A = tpu.iota {dimensions = array<i32: 0>} : vector<16xi32>
    %add3A_24 = arith.constant 0 : i32
    %add3A_25 = vector.broadcast %add3A_24 : i32 to vector<16xi32>
    %add3A_26 = arith.addi %add3A_25, %iota3A : vector<16xi32>
    %add3A_27 = vector.broadcast %and3A_5 : i32 to vector<16xi32>
    %add3A_28 = arith.addi %add3A_27, %add3A_26 : vector<16xi32>
    %get3A = arith.constant 0 : index
    %get3A_29 = tpu.vector_load %arg8[%get3A] {strides = array<i32>} : memref<32xi32, #tpu.memory_space<vmem>>, vector<16xi32>,
    %get3A_30 = arith.constant 0 : index
    %get3A_31 = tpu.vector_load %arg9[%get3A_30] {strides = array<i32>} : memref<32xi32, #tpu.memory_space<vmem>>, vector<16xi32>,
    %get3A_32 = arith.constant 0 : index
    %get3A_33 = tpu.vector_load %arg10[%get3A_32] {strides = array<i32>} : memref<32xf32, #tpu.memory_space<vmem>>, vector<16xf32>,
    %gather3A = tpu.vector_load_idx %arg11[%add3A_26, %add3A_28] : memref<32x128xf32, #tpu.memory_space<vmem>>[vector<16xi32>, vector<16xi32>], vector<16xf32>,
    %gather3A_34 = tpu.vector_load_idx %arg12[%add3A_26, %add3A_28] : memref<32x128xf32, #tpu.memory_space<vmem>>[vector<16xi32>, vector<16xi32>], vector<16xf32>,
    %mul3A_35 = arith.mulf %get3A_33, %gather3A : vector<16xf32>
    %add3A_36 = arith.constant 9.99999996E-13 : f32
    %add3A_37 = vector.broadcast %add3A_36 : f32 to vector<16xf32>
    %add3A_38 = arith.addf %mul3A_35, %add3A_37 : vector<16xf32>
    %sub3A = arith.constant 1.000000e+00 : f32
    %sub3A_39 = vector.broadcast %sub3A : f32 to vector<16xf32>
    %sub3A_40 = arith.subf %sub3A_39, %get3A_33 : vector<16xf32>
    %mul3A_41 = arith.mulf %sub3A_40, %gather3A_34 : vector<16xf32>
    %add3A_42 = arith.constant 9.99999996E-13 : f32
    %add3A_43 = vector.broadcast %add3A_42 : f32 to vector<16xf32>
    %add3A_44 = arith.addf %mul3A_41, %add3A_43 : vector<16xf32>
    %lt3A = arith.constant 100000 : i32
    %lt3A_45 = vector.broadcast %lt3A : i32 to vector<16xi32>
    %lt3A_46 = arith.cmpi slt, %get3A_29, %lt3A_45 : vector<16xi32>
    %select_n3A = arith.select %lt3A_46, %add3A_38, %add3A_44 : vector<16xi1>, vector<16xf32>
    %swap3A = arith.constant 0 : index
    %swap3A_47 = tpu.vector_load %arg13[%swap3A] {strides = array<i32>} : memref<32xf32, #tpu.memory_space<vmem>>, vector<16xf32>,
    tpu.vector_store %arg13[%swap3A], %select_n3A {strides = array<i32>} : memref<32xf32, #tpu.memory_space<vmem>>, vector<16xf32>,
    %iota3A_48 = tpu.iota {dimensions = array<i32: 0>} : vector<16xi32>
    %add3A_49 = arith.constant 16 : i32
    %add3A_50 = vector.broadcast %add3A_49 : i32 to vector<16xi32>
    %add3A_51 = arith.addi %add3A_50, %iota3A_48 : vector<16xi32>
    %add3A_52 = vector.broadcast %and3A_5 : i32 to vector<16xi32>
    %add3A_53 = arith.addi %add3A_52, %add3A_51 : vector<16xi32>
    %get3A_54 = arith.constant 16 : index
    %get3A_55 = tpu.vector_load %arg8[%get3A_54] {strides = array<i32>} : memref<32xi32, #tpu.memory_space<vmem>>, vector<16xi32>,
    %get3A_56 = arith.constant 16 : index
    %get3A_57 = tpu.vector_load %arg9[%get3A_56] {strides = array<i32>} : memref<32xi32, #tpu.memory_space<vmem>>, vector<16xi32>,
    %get3A_58 = arith.constant 16 : index
    %get3A_59 = tpu.vector_load %arg10[%get3A_58] {strides = array<i32>} : memref<32xf32, #tpu.memory_space<vmem>>, vector<16xf32>,
    %gather3A_60 = tpu.vector_load_idx %arg11[%add3A_51, %add3A_53] : memref<32x128xf32, #tpu.memory_space<vmem>>[vector<16xi32>, vector<16xi32>], vector<16xf32>,
    %gather3A_61 = tpu.vector_load_idx %arg12[%add3A_51, %add3A_53] : memref<32x128xf32, #tpu.memory_space<vmem>>[vector<16xi32>, vector<16xi32>], vector<16xf32>,
    %mul3A_62 = arith.mulf %get3A_59, %gather3A_60 : vector<16xf32>
    %add3A_63 = arith.constant 9.99999996E-13 : f32
    %add3A_64 = vector.broadcast %add3A_63 : f32 to vector<16xf32>
    %add3A_65 = arith.addf %mul3A_62, %add3A_64 : vector<16xf32>
    %sub3A_66 = arith.constant 1.000000e+00 : f32
    %sub3A_67 = vector.broadcast %sub3A_66 : f32 to vector<16xf32>
    %sub3A_68 = arith.subf %sub3A_67, %get3A_59 : vector<16xf32>
    %mul3A_69 = arith.mulf %sub3A_68, %gather3A_61 : vector<16xf32>
    %add3A_70 = arith.constant 9.99999996E-13 : f32
    %add3A_71 = vector.broadcast %add3A_70 : f32 to vector<16xf32>
    %add3A_72 = arith.addf %mul3A_69, %add3A_71 : vector<16xf32>
    %lt3A_73 = arith.constant 100000 : i32
    %lt3A_74 = vector.broadcast %lt3A_73 : i32 to vector<16xi32>
    %lt3A_75 = arith.cmpi slt, %get3A_55, %lt3A_74 : vector<16xi32>
    %select_n3A_76 = arith.select %lt3A_75, %add3A_65, %add3A_72 : vector<16xi1>, vector<16xf32>
    %swap3A_77 = arith.constant 16 : index
    %swap3A_78 = tpu.vector_load %arg13[%swap3A_77] {strides = array<i32>} : memref<32xf32, #tpu.memory_space<vmem>>, vector<16xf32>,
    tpu.vector_store %arg13[%swap3A_77], %select_n3A_76 {strides = array<i32>} : memref<32xf32, #tpu.memory_space<vmem>>, vector<16xf32>,
    "tpu.region"() ({
      %run_scoped3A = tpu.sem_alloc : memref<!tpu.dma_semaphore, #tpu.memory_space<semaphore_mem>>
      %dma_start3A_79 = tpu.memref_slice %arg7[%mul3A_2] : memref<1024xf32, #tpu.memory_space<hbm>> -> memref<32xf32, #tpu.memory_space<hbm>>
      %dma_start3A_80 = tpu.memref_slice %arg7[%mul3A_2] : memref<1024xf32, #tpu.memory_space<hbm>> -> memref<32xf32, #tpu.memory_space<hbm>>
      tpu.enqueue_dma source(%arg13 : memref<32xf32, #tpu.memory_space<vmem>>) target(%dma_start3A_80 : memref<32xf32, #tpu.memory_space<hbm>>) target_semaphore(%run_scoped3A : memref<!tpu.dma_semaphore, #tpu.memory_space<semaphore_mem>>)
      %dma_wait3A_81 = tpu.memref_slice %arg7[%mul3A_2] : memref<1024xf32, #tpu.memory_space<hbm>> -> memref<32xf32, #tpu.memory_space<hbm>>
      %dma_wait3A_82 = tpu.memref_slice %arg7[%mul3A_2] : memref<1024xf32, #tpu.memory_space<hbm>> -> memref<32xf32, #tpu.memory_space<hbm>>
      tpu.wait_dma2 semaphore(%run_scoped3A : memref<!tpu.dma_semaphore, #tpu.memory_space<semaphore_mem>>) src(%arg13 : memref<32xf32, #tpu.memory_space<vmem>>) dst(%dma_wait3A_82 : memref<32xf32, #tpu.memory_space<hbm>>)
      tpu.yield
    }) : () -> ()
    return
  }
}

module attributes {stable_mosaic.version = 14 : i64} {
  func.func @body(%arg0: memref<8x128xf32, #tpu.memory_space<vmem>>, %arg1: memref<1x1xf32, #tpu.memory_space<smem>>) attributes {dimension_semantics = [], scalar_prefetch = 0 : i64, scratch_operands = 0 : i64, tpu.core_type = #tpu.core_type<tc>} {
    %get3A = arith.constant 0 : index
    %get3A_0 = arith.constant 0 : index
    %get3A_1 = vector.load %arg0[%get3A, %get3A_0] : memref<8x128xf32, #tpu.memory_space<vmem>>, vector<8x128xf32>
    %log3A = math.log %get3A_1 : vector<8x128xf32>
    %reduce_sum3A = vector.shape_cast %log3A : vector<8x128xf32> to vector<1x8x128xf32>
    %reduce_sum3A_2 = arith.constant dense<0.000000e+00> : vector<1xf32>
    %reduce_sum3A_3 = vector.multi_reduction <add>, %reduce_sum3A, %reduce_sum3A_2 [1, 2] : vector<1x8x128xf32> to vector<1xf32>
    %reduce_sum3A_4 = vector.shape_cast %reduce_sum3A_3 : vector<1xf32> to vector<1x1x1xf32>
    %reduce_sum3A_5 = vector.extract %reduce_sum3A_4[0, 0, 0] : f32 from vector<1x1x1xf32>
    %neg3A = arith.constant 0.000000e+00 : f32
    %neg3A_6 = arith.subf %neg3A, %reduce_sum3A_5 : f32
    %mul3A = arith.constant 9.765625E-4 : f32
    %mul3A_7 = arith.mulf %neg3A_6, %mul3A : f32
    %swap3A = arith.constant 0 : index
    %swap3A_8 = arith.constant 0 : index
    %swap3A_9 = memref.load %arg1[%swap3A, %swap3A_8] : memref<1x1xf32, #tpu.memory_space<smem>>
    memref.store %mul3A_7, %arg1[%swap3A, %swap3A_8] : memref<1x1xf32, #tpu.memory_space<smem>>
    return
  }
}

</mosaic_0001>

<sc_bundles>
// kernel: kernel.4.cloned.1.call-start
scs
__scs_entry_jumppad:
0x0: {  	(pc) =	sbr.rel $0x88, $3  }
0x1: {  	(tag) =	ssettag $0x0;
	lr =	simm.s32 $0x1  }
0x2: {  	[smem:$0x3F9C] =	sst lr;
	_ =	strace $0xD0000000  }
0x3: {  	_ = 	snop  }
0x4: {  	_ = 	snop  }
0x5: {  	_ = 	snop  }
0x6: {  	_ = 	snop  }
0x7: {  	_ = 	snop  }
__scs_overlays_trampoline_lowered:
0x8: {  	[smem:$0x3FAB] =	sst s0  }
0x9: {  	[smem:$0x3FAC] =	sst s1  }
0xa: {  	[smem:$0x3FAD] =	sst s2  }
0xb: {  	[smem:$0x3FAE] =	sst s3  }
0xc: {  	[smem:$0x3FAF] =	sst s4  }
0xd: {  	[smem:$0x3FB0] =	sst s5  }
0xe: {  	[smem:$0x3FB1] =	sst s6  }
0xf: {  	[smem:$0x3FB2] =	sst s7  }
0x10: {  	[smem:$0x3FB3] =	sst s8  }
0x11: {  	[smem:$0x3FB4] =	sst s9;
	s0 =	simm.s32 @!p0 $0x0  }
0x12: {  	s1 =	sld [smem:$0x3F9A];
	s0 =	simm.s32 @p0 $0x1  }
0x13: {  	[smem:$0x3FB5] =	sst s0;
	s0 =	simm.s32 @!p1 $0x0  }
0x14: {  	s2 =	sld [smem:$0x3F99];
	s0 =	simm.s32 @p1 $0x1  }
0x15: {  	[smem:$0x3FB6] =	sst s0;
	s0 =	simm.s32 @!p2 $0x0  }
0x16: {  	s3 =	sld [smem:$0x3FDB];
	s0 =	simm.s32 @p2 $0x1  }
0x17: {  	s4 =	simm.s32 $0x1BF5;
	[smem:$0x3FB8] =	sst s0  }
0x18: {  	s0 =	sld [smem:$0x3F9B];
	_ =	swait.ge [sflag:s4], $0x0  }
0x19: {  	s7 =	sld [smem:$0x3F9C]  }
0x1a: {  	s8 =	sadd.s32 $0xFFFFE003, lr  }
0x1b: {  	s9 =	sadd.s32 $0xFFFFFEF7, lr;
	s5 =	simm.s32 $0xFFFFFFFF;
	p2 =	slt.u32 s8, $0xFFFFF086  }
0x1c: {  	p1 =	slt.u32 s9, $0xF7A;
	s5 =	simm.s32 @!p2 $0x0  }
0x1d: {  	s5 =	simm.s32 @p1 $0x1;
	p0 =	seq.s32 s7, s2  }
0x1e: {  	s7 =	smul.u32 @!p0 $0xF7A, s2;
	p2 =	seq.s32 @!p0 s5, $0x0  }
0x1f: {  	s9 =	smul.u32 $0xF7A, s1;
	s8 =	simm.s32 @!p0 $0x1BF5;
	p2 =	por !p2, p0  }
0x20: {  	[sflag:s8] =	ssyncset.s32 @!p0 $0xFFFFF086;
	s6 =	sadd.s32 @!p0 s3, s7;
	s7 =	simm.s32 @!p0 $0x108  }
0x21: {  	s3 =	sadd.s32 s3, s9;
	s6 =	sadd.s32 @!p0 $0x88, s6;
	s7 =	simm.s32 @p2 $0x1082  }
0x22: {  	[simem:s7], [sflag:s8] =	dma.local @!p0 [hbm:s6], $0xF7A  }
0x23: {  	s9 =	sor.u32 $0xD0000000, s2;
	s6 =	simm.s32 $0x108;
	_ =	swait.ge @!p0 [sflag:s8], $0x0  }
0x24: {  	s3 =	sadd.s32 $0x88, s3;
	s6 =	simm.s32 @!p1 $0x1082;
	[sflag:s4] =	ssyncset.s32 $0xFFFFF086  }
0x25: {  	[simem:s6], [sflag:s4] =	dma.local [hbm:s3], $0xF7A  }
0x26: {  	[smem:$0x3F9C] =	sst s1;
	(tag) =	ssettag s2;
	_ =	strace s9  }
0x27: {  	s1 =	sld [smem:$0x3FAC]  }
0x28: {  	s2 =	sld [smem:$0x3FAD]  }
0x29: {  	s4 =	sld [smem:$0x3FAF]  }
0x2a: {  	p0 =	seq.s32 s5, $0x0;
	s5 =	sld [smem:$0x3FB0]  }
0x2b: {  	s6 =	sld [smem:$0x3FB1]  }
0x2c: {  	s7 =	sld [smem:$0x3FB2]  }
0x2d: {  	s3 =	simm.s32 $0x108;
	s8 =	sld [smem:$0x3FB3]  }
0x2e: {  	s3 =	simm.s32 @!p0 $0x1082;
	s9 =	sld [smem:$0x3FB4]  }
0x2f: {  	lr =	sadd.s32 s0, s3;
	s0 =	sld [smem:$0x3FAB]  }
0x30: {  	s3 =	sld [smem:$0x3FAE]  }
0x31: {  	[smem:$0x3FB7] =	sst s10  }
0x32: {  	s10 =	sld [smem:$0x3FB5];
	_ =	sdelay $0x3  }
0x33: {  	p0 =	seq.s32 s10, $0x1;
	s10 =	sld [smem:$0x3FB7];
	_ =	sdelay $0x3  }
0x34: {  	[smem:$0x3FB7] =	sst s10  }
0x35: {  	s10 =	sld [smem:$0x3FB6];
	_ =	sdelay $0x3  }
0x36: {  	p1 =	seq.s32 s10, $0x1;
	s10 =	sld [smem:$0x3FB7];
	_ =	sdelay $0x3  }
0x37: {  	[smem:$0x3FB7] =	sst s10  }
0x38: {  	s10 =	sld [smem:$0x3FB8]  }
0x39: {  	_ = 	snop;
	(pc) =	sbr.ind lr, $3  }
0x3a: {  	_ = 	snop  }
0x3b: {  	_ = 	snop  }
0x3c: {  	p2 =	seq.s32 s10, $0x1;
	s10 =	sld [smem:$0x3FB7]  }
0x3d: {  	_ =	shalt  }
0x3e: {  	_ =	shalt  }
0x3f: {  	_ =	shalt  }
0x40: {  	_ =	shalt  }
0x41: {  	_ =	shalt  }
0x42: {  	_ =	shalt  }
0x43: {  	_ =	shalt  }
0x44: {  	_ =	shalt  }
0x45: {  	_ =	shalt  }
0x46: {  	_ =	shalt  }
0x47: {  	_ =	shalt  }
0x48: {  	_ =	shalt  }
0x49: {  	_ =	shalt  }
0x4a: {  	_ =	shalt  }
0x4b: {  	_ =	shalt  }
0x4c: {  	_ =	shalt  }
0x4d: {  	_ =	shalt  }
0x4e: {  	_ =	shalt  }
0x4f: {  	_ =	shalt  }
0x50: {  	_ =	shalt  }
0x51: {  	_ =	shalt  }
0x52: {  	_ =	shalt  }
0x53: {  	_ =	shalt  }
0x54: {  	_ =	shalt  }
0x55: {  	_ =	shalt  }
0x56: {  	_ =	shalt  }
0x57: {  	_ =	shalt  }
0x58: {  	_ =	shalt  }
0x59: {  	_ =	shalt  }
0x5a: {  	_ =	shalt  }
0x5b: {  	_ =	shalt  }
0x5c: {  	_ =	shalt  }
0x5d: {  	_ =	shalt  }
0x5e: {  	_ =	shalt  }
0x5f: {  	_ =	shalt  }
0x60: {  	_ =	shalt  }
0x61: {  	_ =	shalt  }
0x62: {  	_ =	shalt  }
0x63: {  	_ =	shalt  }
0x64: {  	_ =	shalt  }
0x65: {  	_ =	shalt  }
0x66: {  	_ =	shalt  }
0x67: {  	_ =	shalt  }
0x68: {  	_ =	shalt  }
0x69: {  	_ =	shalt  }
0x6a: {  	_ =	shalt  }
0x6b: {  	_ =	shalt  }
0x6c: {  	_ =	shalt  }
0x6d: {  	_ =	shalt  }
0x6e: {  	_ =	shalt  }
0x6f: {  	_ =	shalt  }
0x70: {  	_ =	shalt  }
0x71: {  	_ =	shalt  }
0x72: {  	_ =	shalt  }
0x73: {  	_ =	shalt  }
0x74: {  	_ =	shalt  }
0x75: {  	_ =	shalt  }
0x76: {  	_ =	shalt  }
0x77: {  	_ =	shalt  }
0x78: {  	_ =	shalt  }
0x79: {  	_ =	shalt  }
0x7a: {  	_ =	shalt  }
0x7b: {  	_ =	shalt  }
0x7c: {  	_ =	shalt  }
0x7d: {  	_ =	shalt  }
0x7e: {  	_ =	shalt  }
0x7f: {  	_ =	shalt  }
0x80: {  	_ =	shalt  }
0x81: {  	_ =	shalt  }
0x82: {  	_ =	shalt  }
0x83: {  	_ =	shalt  }
0x84: {  	_ =	shalt  }
0x85: {  	_ =	shalt  }
0x86: {  	_ =	shalt  }
0x87: {  	_ =	shalt  }
.Lfunc_end0:
.L_simem_size_0:
called_computation_lowered:
.L_overlay_start_0:
0x88: {  	s2 =	sld [smem:$0x3FD9]  }
0x89: {  	s3 =	sld [smem:$0x3FFE];
	_ =	sdelay $0x1  }
0x8a: {  	s1 =	srdreg.scid  }
0x8b: {  	s0 =	sand.u32 $0x1, s1  }
0x8c: {  	s17 =	sshll.u32 s0, $0xA;
	s2 =	sadd.s32 s3, s2  }
0x8d: {  	s2 =	sadd.s32 s2, s17  }
0x8e: {  	[smem:$0x3FC3] =	sst s2  }
0x8f: {  	_ = 	snop  }
0x90: {  	s2 =	sld [smem:$0x3FC9]  }
0x91: {  	s18 =	sld [smem:$0x3FC8]  }
0x92: {  	s4 =	sld [smem:$0x3FC7]  }
0x93: {  	s5 =	sld [smem:$0x3FC6]  }
0x94: {  	s6 =	sld [smem:$0x3FC5];
	(tm) =	ssettm $0x1  }
0x95: {  	s7 =	sld [smem:$0x3FFB];
	_ =	sdelay $0x3  }
0x96: {  	_ =	strace s7  }
0x97: {  	s7 =	sld [smem:$0x3FFC];
	_ =	sdelay $0x3  }
0x98: {  	_ =	strace s7  }
0x99: {  	s7 =	sld [smem:$0x3FFD];
	_ =	sdelay $0x3  }
0x9a: {  	_ =	strace s7  }
0x9b: {  	_ =	strace $0x8FFFFFFF  }
0x9c: {  	s19 =	sld [smem:$0x3FDB];
	_ =	sdelay $0x1  }
0x9d: {  	s8 =	simm.s32 $_scs_section_size  }
0x9e: {  	s9 =	simm.s32 $_size__tile_overlayer_lowered;
	s10 =	simm.s32 $_tile_overlayer_lowered  }
0x9f: {  	s22 =	simm.s32 $0x1BFF;
	s21 =	sshll.u32 s10, $0x1;
	s7 =	sadd.s32 s8, s19  }
0xa0: {  	s11 =	simm.s32 $0x0;
	s20 =	sshll.u32 s9, $0x1;
	s9 =	sadd.s32 s21, s7  }
0xa1: {  	[timem:s11], [sflag:s22] =	dma.local [hbm:s9], s20  }
0xa2: {  	_ =	swait.ge [sflag:s22], s20  }
0xa3: {  	s8 =	ssub.s32 $0x0, s20;
	[sflag:s22] =	ssyncset.done $0x0  }
0xa4: {  	[sflag:s22] =	ssyncadd.s32 s8;
	_ =	sdelay $0x1  }
0xa5: {  	s23 =	simm.s32 $0x1B8B  }
0xa6: {  	_ =	swait.ge [sflag:s23], $0x1  }
0xa7: {  	[sflag:s23] =	ssyncset.done $0x0  }
0xa8: {  	s25 =	simm.s32 $0x1B8E;
	s24 =	sld [smem:$0x3FFE];
	[sflag:s23] =	ssyncadd.s32 $0xFFFFFFFF  }
0xa9: {  	s26 =	simm.s32 $execute0_lowered;
	[smem:$0x3FD2] =	sst s25  }
0xaa: {  	s9 =	sshll.u32 s26, $0x1;
	_ =	strace $0x80000046;
	[dreg:$0x1] =	wrdreg $0xFFFFFFFF  }
0xab: {  	s28 =	simm.s32 $_size_execute0_lowered;
	s7 =	sadd.s32 s7, s9;
	[dreg:$0x0] =	wrdreg $0x0  }
0xac: {  	s9 =	sshll.u32 s28, $0x1;
	[dreg:$0x2] =	wrdreg s7  }
0xad: {  	[dreg:$0x3] =	wrdreg s9  }
0xae: {  	[dreg:$0x4] =	wrdreg $0xC0  }
0xaf: {  	_ =	task [dreg:s11], $0x5FFFF  }
0xb0: {  	[dreg:$0x1] =	wrdreg $0xFFFFFFFF  }
0xb1: {  	[dreg:$0x0] =	wrdreg $0x60  }
0xb2: {  	[dreg:$0x2] =	wrdreg s2  }
0xb3: {  	[dreg:$0x3] =	wrdreg s18  }
0xb4: {  	[dreg:$0x4] =	wrdreg s4  }
0xb5: {  	[dreg:$0x5] =	wrdreg s5  }
0xb6: {  	[dreg:$0x6] =	wrdreg s6  }
0xb7: {  	[dreg:$0x7] =	wrdreg s24  }
0xb8: {  	[dreg:$0x8] =	wrdreg $0x9  }
0xb9: {  	_ =	task.clear_ibuf [dreg:s11], $0x9FFFF;
	_ =	strace $0x90000046  }
0xba: {  	s29 =	simm.s32 $0x9;
	_ =	strace $0x80000048  }
0xbb: {  	_ =	swait.ge [sflag:s29], $0x1  }
0xbc: {  	[sflag:s29] =	ssyncadd.s32 $0xFFFFFFFF  }
0xbd: {  	_ =	strace $0x90000048  }
0xbe: {  	_ =	sfence  }
0xbf: {  	s30 =	sld [smem:$0x0];
	_ =	sdelay $0x2  }
0xc0: {  	s31 =	sshll.u32 s1, $0xD;
	s1 =	sshrl.u32 s1, $0x2  }
0xc1: {  	s3 =	sand.u32 $0x4000, s31;
	s1 =	sadd.s32 s1, s30  }
0xc2: {  	s0 =	sor.u32 s3, s0;
	s1 =	sshll.u32 s1, $0x11  }
0xc3: {  	s0 =	sor.u32 s1, s0  }
0xc4: {  	s0 =	sadd.s32 $0x8F2B, s0  }
0xc5: {  	[sflag:s0] =	ssyncadd.remote.s32 $0x1  }
0xc6: {  	_ =	sfence.sel $0xFFFF  }
0xc7: {  	[dreg:$0x0] =	wrdreg $0xFFFFFFFF;
	(pc) =	sbr.abs _section_cstart, $3  }
0xc8: {  	[dreg:$0x1] =	wrdreg $0xFFFFFFFF  }
0xc9: {  	_ =	task.clear_ibuf [dreg:s11], $0x2FFFF;
	_ =	strace $0x9FFFFFFF  }
0xca: {  	(tm) =	ssettm $0x7FFFFFFF  }
0xcb: {  	_ =	shalt  }
tec
execute0_lowered:
.L_overlay_start_1:
0x0: {  	(tag) =	ssettag $0x1  }
0x1: {  	s3 =	rddreg [dreg:$0x0]  }
0x2: {  	s1 =	rddreg [dreg:$0x1]  }
0x3: {  	s7 =	rddreg [dreg:$0x2]  }
0x4: {  	s8 =	rddreg [dreg:$0x3]  }
0x5: {  	s2 =	srdreg.scid;
	s9 =	rddreg [dreg:$0x4]  }
0x6: {  	s10 =	rddreg [dreg:$0x5];
	s6 =	sand.u32 $0x1, s2;
	s2 =	simm.s32 $0x0  }
0x7: {  	s22 =	simm.s32 $0x80;
	[smem:$0x7FF] =	sst s2  }
0x8: {  	s23 =	simm.s32 $0x100;
	_ =	strace $0x80000047;
	[dreg:$0xb] =	wrdreg s22  }
0x9: {  	s24 =	simm.s32 $0x200;
	[dreg:$0xc] =	wrdreg s23  }
0xa: {  	s25 =	simm.s32 $0x280;
	[dreg:$0xd] =	wrdreg s24  }
0xb: {  	s0 =	stileid.u32;
	s26 =	simm.s32 $0x300;
	[dreg:$0xe] =	wrdreg s25  }
0xc: {  	s4 =	sshll.u32 s0, $0x6;
	s0 =	simm.s32 $0x380;
	[dreg:$0xf] =	wrdreg s26  }
0xd: {  	s12 =	simm.s32 $0x600;
	[dreg:$0x10] =	wrdreg s0  }
0xe: {  	s13 =	simm.s32 $0x680;
	[dreg:$0x15] =	wrdreg s12  }
0xf: {  	s14 =	simm.s32 $0x700;
	[dreg:$0x16] =	wrdreg s13  }
0x10: {  	s15 =	simm.s32 $0x780;
	[dreg:$0x17] =	wrdreg s14  }
0x11: {  	s16 =	simm.s32 $0x800;
	[dreg:$0x18] =	wrdreg s15  }
0x12: {  	s17 =	simm.s32 $0x880;
	[dreg:$0x19] =	wrdreg s16  }
0x13: {  	s18 =	simm.s32 $0x900;
	[dreg:$0x1a] =	wrdreg s17  }
0x14: {  	[dreg:$0x1b] =	wrdreg s18;
	s22 =	simm.s32 $0xB00  }
0x15: {  	s23 =	simm.s32 $0xB80;
	[dreg:$0x1f] =	wrdreg s22  }
0x16: {  	s24 =	simm.s32 $0xC00;
	[smem:$0x7E8] =	sst s23  }
0x17: {  	s25 =	simm.s32 $0xC80;
	[smem:$0x7E9] =	sst s24  }
0x18: {  	s28 =	simm.s32 $0x2000;
	s26 =	simm.s32 $0xD00;
	[smem:$0x7EA] =	sst s25  }
0x19: {  	s29 =	simm.s32 $0x2080;
	s0 =	simm.s32 $0xD80;
	[smem:$0x7EB] =	sst s26  }
0x1a: {  	s30 =	simm.s32 $0x2100;
	s12 =	simm.s32 $0x1000;
	[smem:$0x7EC] =	sst s0  }
0x1b: {  	s31 =	simm.s32 $0x2180;
	s13 =	simm.s32 $0x1080;
	[smem:$0x7F1] =	sst s12  }
0x1c: {  	s5 =	sshll.u32 s6, $0x5;
	s14 =	simm.s32 $0x1100;
	[smem:$0x7F2] =	sst s13  }
0x1d: {  	s6 =	ssub.s32 $0x2, s6;
	s16 =	simm.s32 $0x1200;
	[smem:$0x7F3] =	sst s14  }
0x1e: {  	s5 =	sor.u32 s5, s4;
	s17 =	simm.s32 $0x1280;
	[smem:$0x7F4] =	sst s16  }
0x1f: {  	s15 =	sshrl.u32 s6, $0x1;
	[smem:$0x7F5] =	sst s17;
	s22 =	simm.s32 $0x1480  }
0x20: {  	s4 =	sand.u32 $0x380, s4;
	s23 =	simm.s32 $0x1500;
	[smem:$0x7F9] =	sst s22  }
0x21: {  	s11 =	sshrl.u32 s5, $0x3;
	s24 =	simm.s32 $0x1580;
	[smem:$0x7FA] =	sst s23  }
0x22: {  	s6 =	ssub.s32 s6, s15;
	s25 =	simm.s32 $0x1600;
	[smem:$0x7FB] =	sst s24  }
0x23: {  	s18 =	sand.u32 $0x60, s5;
	s26 =	simm.s32 $0x1680;
	[smem:$0x7FC] =	sst s25  }
0x24: {  	s3 =	sadd.s32 s3, s4;
	s8 =	sadd.s32 s8, s11;
	[smem:$0x7FD] =	sst s26  }
0x25: {  	s4 =	sadd.s32 s1, s4;
	s19 =	sadd.s32 s9, s11;
	[dreg:$0x7] =	wrdreg s8  }
0x26: {  	s12 =	simm.s32 $0x1880;
	s7 =	sadd.s32 s7, s11;
	[dreg:$0x8] =	wrdreg s19  }
0x27: {  	s13 =	simm.s32 $0x1900;
	s9 =	simm.s32 $0x480;
	[dreg:$0x9] =	wrdreg s7  }
0x28: {  	s20 =	sadd.s32 s11, s10;
	s10 =	simm.s32 $0x500;
	[dreg:$0x12] =	wrdreg s9  }
0x29: {  	s14 =	simm.s32 $0x1980;
	s11 =	simm.s32 $0x580;
	[dreg:$0x13] =	wrdreg s10  }
0x2a: {  	s15 =	simm.s32 $0x1A00;
	s21 =	sadd.s32 $0x600, s20;
	[dreg:$0x14] =	wrdreg s11  }
0x2b: {  	s16 =	simm.s32 $0x1A80;
	s8 =	simm.s32 $0x400;
	[dreg:$0xa] =	wrdreg s21  }
0x2c: {  	v5 =	vlaneseq.u32;
	s17 =	simm.s32 $0x1B00;
	s19 =	simm.s32 $0x980;
	[dreg:$0x11] =	wrdreg s8  }
0x2d: {  	v0 =	vmul.u32 $0x81, v5;
	s1 =	simm.s32 $0x2;
	s20 =	simm.s32 $0xA00;
	[dreg:$0x1c] =	wrdreg s19  }
0x2e: {  	s5 =	smax.u32 s6, $0x1;
	s9 =	simm.s32 $0xE80;
	[dreg:$0x1d] =	wrdreg s20  }
0x2f: {  	v1 =	vadd.s32 $0x810, v0;
	s6 =	simm.s32 $0x1;
	s10 =	simm.s32 $0xF00;
	[smem:$0x7EE] =	sst s9  }
0x30: {  	v0 =	vor.u32 s18, v0;
	v1 =	vor.u32 s18, v1;
	s18 =	simm.s32 $0x1B80;
	s11 =	simm.s32 $0xF80;
	[smem:$0x7EF] =	sst s10  }
0x31: {  	s22 =	simm.s32 $0x1D80;
	s21 =	simm.s32 $0xA80;
	[smem:$0x7F0] =	sst s11  }
0x32: {  	v2 =	vimm.s32 $0x7;
	v3 =	vimm.s32 $0x3;
	v4 =	vimm.s32 $0x0;
	s23 =	simm.s32 $0x1E00;
	s8 =	simm.s32 $0xE00;
	[dreg:$0x1e] =	wrdreg s21  }
0x33: {  	vm0 =	vmmov $0x1;
	v6 =	vimm.s32 $0x1;
	v7 =	vimm.s32 $0x2;
	s24 =	simm.s32 $0x1E80;
	s19 =	simm.s32 $0x1300;
	[smem:$0x7ED] =	sst s8  }
0x34: {  	v8 =	vimm.s32 $0x4;
	v9 =	vimm.s32 $0x5;
	v10 =	vimm.s32 $0x6;
	s25 =	simm.s32 $0x1F00;
	s20 =	simm.s32 $0x1380;
	[smem:$0x7F6] =	sst s19  }
0x35: {  	v11 =	vimm.s32 $0x8;
	v12 =	vimm.s32 $0x9;
	v13 =	vimm.s32 $0xA;
	s26 =	simm.s32 $0x1F80;
	s7 =	simm.s32 $0x180;
	[smem:$0x7F7] =	sst s20  }
0x36: {  	v14 =	vimm.s32 $0xB;
	v15 =	vimm.s32 $0xC;
	v16 =	vimm.s32 $0xD;
	s21 =	simm.s32 $0x1400;
	s8 =	simm.s32 $0x1180;
	s19 =	simm.s32 $0x1C00  }
0x37: {  	v17 =	vimm.s32 $0xE;
	v18 =	vimm.s32 $0xF;
	v5 =	vmul.u32 $0x8, v5;
	s20 =	simm.s32 $0x1C80;
	[smem:$0x7F8] =	sst s21;
	s21 =	simm.s32 $0x1D00  }
.LBB2_1:
0x38: {  	s0 =	rddreg [dreg:$0x7]  }
0x39: {  	s9 =	rddreg [dreg:$0xb]  }
0x3a: {  	s10 =	rddreg [dreg:$0x9]  }
0x3b: {  	[tilespmem:s2], [sflag:$0x1] =	stream.linear.gather [hbm4b:s0+s2], $0x20, $0x38;
	[tilespmem:$0x2200] =	vst v63  }
0x3c: {  	s0 =	rddreg [dreg:$0x8]  }
0x3d: {  	[tilespmem:s9], [sflag:$0x1] =	stream.linear.gather [hbm4b:s0+s2], $0x20, $0x38;
	[tilespmem:$0x2200] =	vst v63  }
0x3e: {  	s11 =	rddreg [dreg:$0xc]  }
0x3f: {  	[tilespmem:s11], [sflag:$0x1] =	stream.linear.gather [hbm4b:s10+s2], $0x20, $0x38;
	[tilespmem:$0x2200] =	vst v63  }
0x40: {  	_ =	swait.ge [sflag:s6], $0x20  }
0x41: {  	[sflag:s6] =	ssyncset.done $0x0  }
0x42: {  	[sflag:s6] =	ssyncadd.s32 $0xFFFFFFE0  }
0x43: {  	_ =	swait.ge [sflag:s6], $0x20  }
0x44: {  	[sflag:s6] =	ssyncset.done $0x0  }
0x45: {  	[sflag:s6] =	ssyncadd.s32 $0xFFFFFFE0  }
0x46: {  	_ =	swait.ge [sflag:s6], $0x20  }
0x47: {  	[sflag:s6] =	ssyncset.done $0x0  }
0x48: {  	[sflag:s6] =	ssyncadd.s32 $0xFFFFFFE0  }
0x49: {  	v19 =	vld [tilespmem:$0x0];
	_ =	sdelay $0x4  }
0x4a: {  	v20 =	vshll.u32 v19, $0x3  }
0x4b: {  	v19 =	vand.u32 $0x7, v19;
	v20 =	vand.u32 $0xFFFFFFC0, v20  }
0x4c: {  	v19 =	vor.u32 v19, v20  }
0x4d: {  	v20 =	vperm.xlane v19, v4;
	_ =	sdelay $0x1  }
0x4e: {  	v21 =	vperm.xlane v19, v6;
	v20 =	vadd.s32 v5, v20;
	_ =	sdelay $0x1  }
0x4f: {  	v22 =	vperm.xlane v19, v7;
	v21 =	vadd.s32 v5, v21;
	_ =	sdelay $0x1  }
0x50: {  	v23 =	vperm.xlane v19, v3;
	v22 =	vadd.s32 v5, v22  }
0x51: {  	[tilespmem:s7], [sflag:$0x1] =	stream.indirect_vreg.gather [hbm4b:s3+s2], $0x80, v20, vm0, $0xb8;
	[tilespmem:$0x2200] =	vst v63  }
0x52: {  	s9 =	rddreg [dreg:$0xd];
	v53 =	vperm.xlane v19, v8;
	v20 =	vadd.s32 v5, v23  }
0x53: {  	[tilespmem:s9], [sflag:$0x1] =	stream.indirect_vreg.gather [hbm4b:s3+s2], $0x80, v21, vm0, $0xb8;
	[tilespmem:$0x2200] =	vst v63  }
0x54: {  	s10 =	rddreg [dreg:$0xe];
	v55 =	vperm.xlane v19, v9;
	v54 =	vadd.s32 v5, v53  }
0x55: {  	[tilespmem:s10], [sflag:$0x1] =	stream.indirect_vreg.gather [hbm4b:s3+s2], $0x80, v22, vm0, $0xb8;
	[tilespmem:$0x2200] =	vst v63  }
0x56: {  	s11 =	rddreg [dreg:$0xf];
	v57 =	vperm.xlane v19, v10;
	v56 =	vadd.s32 v5, v55  }
0x57: {  	[tilespmem:s11], [sflag:$0x1] =	stream.indirect_vreg.gather [hbm4b:s3+s2], $0x80, v20, vm0, $0xb8;
	[tilespmem:$0x2200] =	vst v63  }
0x58: {  	v58 =	vperm.xlane v19, v2;
	s10 =	rddreg [dreg:$0x10];
	v20 =	vadd.s32 v5, v57  }
0x59: {  	[tilespmem:s10], [sflag:$0x1] =	stream.indirect_vreg.gather [hbm4b:s3+s2], $0x80, v54, vm0, $0xb8;
	[tilespmem:$0x2200] =	vst v63  }
0x5a: {  	v60 =	vperm.xlane v19, v11;
	v59 =	vadd.s32 v5, v58;
	s11 =	rddreg [dreg:$0x11]  }
0x5b: {  	[tilespmem:s11], [sflag:$0x1] =	stream.indirect_vreg.gather [hbm4b:s3+s2], $0x80, v56, vm0, $0xb8;
	[tilespmem:$0x2200] =	vst v63  }
0x5c: {  	v62 =	vperm.xlane v19, v12;
	v61 =	vadd.s32 v5, v60;
	s10 =	rddreg [dreg:$0x12]  }
0x5d: {  	[tilespmem:s10], [sflag:$0x1] =	stream.indirect_vreg.gather [hbm4b:s3+s2], $0x80, v20, vm0, $0xb8;
	[tilespmem:$0x2200] =	vst v63  }
0x5e: {  	v63 =	vperm.xlane v19, v13;
	s11 =	rddreg [dreg:$0x13];
	v20 =	vadd.s32 v5, v62  }
0x5f: {  	[tilespmem:s11], [sflag:$0x1] =	stream.indirect_vreg.gather [hbm4b:s3+s2], $0x80, v59, vm0, $0xb8;
	[tilespmem:$0x2200] =	vst v63  }
0x60: {  	v25 =	vperm.xlane v19, v14;
	v24 =	vadd.s32 v5, v63;
	s10 =	rddreg [dreg:$0x14]  }
0x61: {  	[tilespmem:s10], [sflag:$0x1] =	stream.indirect_vreg.gather [hbm4b:s3+s2], $0x80, v61, vm0, $0xb8;
	[tilespmem:$0x2200] =	vst v63  }
0x62: {  	v27 =	vperm.xlane v19, v15;
	v26 =	vadd.s32 v5, v25;
	s11 =	rddreg [dreg:$0x15]  }
0x63: {  	[tilespmem:s11], [sflag:$0x1] =	stream.indirect_vreg.gather [hbm4b:s3+s2], $0x80, v20, vm0, $0xb8;
	[tilespmem:$0x2200] =	vst v63  }
0x64: {  	v28 =	vperm.xlane v19, v16;
	s10 =	rddreg [dreg:$0x16];
	v20 =	vadd.s32 v5, v27  }
0x65: {  	[tilespmem:s10], [sflag:$0x1] =	stream.indirect_vreg.gather [hbm4b:s3+s2], $0x80, v24, vm0, $0xb8;
	[tilespmem:$0x2200] =	vst v63  }
0x66: {  	v30 =	vperm.xlane v19, v17;
	v29 =	vadd.s32 v5, v28;
	s11 =	rddreg [dreg:$0x17]  }
0x67: {  	[tilespmem:s11], [sflag:$0x1] =	stream.indirect_vreg.gather [hbm4b:s3+s2], $0x80, v26, vm0, $0xb8;
	[tilespmem:$0x2200] =	vst v63  }
0x68: {  	v19 =	vperm.xlane v19, v18;
	v31 =	vadd.s32 v5, v30;
	s10 =	rddreg [dreg:$0x18]  }
0x69: {  	[tilespmem:s10], [sflag:$0x1] =	stream.indirect_vreg.gather [hbm4b:s3+s2], $0x80, v20, vm0, $0xb8;
	[tilespmem:$0x2200] =	vst v63  }
0x6a: {  	v19 =	vadd.s32 v5, v19;
	s11 =	rddreg [dreg:$0x19]  }
0x6b: {  	[tilespmem:s11], [sflag:$0x1] =	stream.indirect_vreg.gather [hbm4b:s3+s2], $0x80, v29, vm0, $0xb8;
	[tilespmem:$0x2200] =	vst v63  }
0x6c: {  	s10 =	rddreg [dreg:$0x1a]  }
0x6d: {  	[tilespmem:s10], [sflag:$0x1] =	stream.indirect_vreg.gather [hbm4b:s3+s2], $0x80, v31, vm0, $0xb8;
	[tilespmem:$0x2200] =	vst v63  }
0x6e: {  	s11 =	rddreg [dreg:$0x1b]  }
0x6f: {  	[tilespmem:s11], [sflag:$0x1] =	stream.indirect_vreg.gather [hbm4b:s3+s2], $0x80, v19, vm0, $0xb8;
	[tilespmem:$0x2200] =	vst v63  }
0x70: {  	v19 =	vld [tilespmem:$0x10];
	_ =	sdelay $0x4  }
0x71: {  	v20 =	vshll.u32 v19, $0x3  }
0x72: {  	v19 =	vand.u32 $0x7, v19;
	v20 =	vand.u32 $0xFFFFFFC0, v20  }
0x73: {  	v19 =	vor.u32 v19, v20  }
0x74: {  	v20 =	vperm.xlane v19, v4;
	_ =	sdelay $0x1  }
0x75: {  	v32 =	vperm.xlane v19, v6;
	v20 =	vadd.s32 v5, v20;
	_ =	sdelay $0x1  }
0x76: {  	v33 =	vperm.xlane v19, v7;
	v21 =	vadd.s32 v5, v32  }
0x77: {  	s10 =	rddreg [dreg:$0x1c]  }
0x78: {  	s11 =	rddreg [dreg:$0x1d];
	v34 =	vperm.xlane v19, v3;
	v22 =	vadd.s32 v5, v33  }
0x79: {  	[tilespmem:s10], [sflag:$0x1] =	stream.indirect_vreg.gather [hbm4b:s3+s2], $0x80, v20, vm0, $0xb8;
	[tilespmem:$0x2200] =	vst v63  }
0x7a: {  	v35 =	vperm.xlane v19, v8;
	s10 =	rddreg [dreg:$0x1e];
	v20 =	vadd.s32 v5, v34  }
0x7b: {  	[tilespmem:s11], [sflag:$0x1] =	stream.indirect_vreg.gather [hbm4b:s3+s2], $0x80, v21, vm0, $0xb8;
	[tilespmem:$0x2200] =	vst v63  }
0x7c: {  	v37 =	vperm.xlane v19, v9;
	v36 =	vadd.s32 v5, v35;
	s11 =	rddreg [dreg:$0x1f]  }
0x7d: {  	[tilespmem:s10], [sflag:$0x1] =	stream.indirect_vreg.gather [hbm4b:s3+s2], $0x80, v22, vm0, $0xb8;
	[tilespmem:$0x2200] =	vst v63  }
0x7e: {  	v39 =	vperm.xlane v19, v10;
	v38 =	vadd.s32 v5, v37;
	s10 =	sld [smem:$0x7E8]  }
0x7f: {  	[tilespmem:s11], [sflag:$0x1] =	stream.indirect_vreg.gather [hbm4b:s3+s2], $0x80, v20, vm0, $0xb8;
	[tilespmem:$0x2200] =	vst v63  }
0x80: {  	v40 =	vperm.xlane v19, v2;
	s11 =	sld [smem:$0x7E9];
	v20 =	vadd.s32 v5, v39  }
0x81: {  	[tilespmem:s10], [sflag:$0x1] =	stream.indirect_vreg.gather [hbm4b:s3+s2], $0x80, v36, vm0, $0xb8;
	[tilespmem:$0x2200] =	vst v63  }
0x82: {  	v42 =	vperm.xlane v19, v11;
	v41 =	vadd.s32 v5, v40;
	s10 =	sld [smem:$0x7EA]  }
0x83: {  	[tilespmem:s11], [sflag:$0x1] =	stream.indirect_vreg.gather [hbm4b:s3+s2], $0x80, v38, vm0, $0xb8;
	[tilespmem:$0x2200] =	vst v63  }
0x84: {  	v44 =	vperm.xlane v19, v12;
	v43 =	vadd.s32 v5, v42;
	s11 =	sld [smem:$0x7EB]  }
0x85: {  	[tilespmem:s10], [sflag:$0x1] =	stream.indirect_vreg.gather [hbm4b:s3+s2], $0x80, v20, vm0, $0xb8;
	[tilespmem:$0x2200] =	vst v63  }
0x86: {  	v45 =	vperm.xlane v19, v13;
	s10 =	sld [smem:$0x7EC];
	v20 =	vadd.s32 v5, v44  }
0x87: {  	[tilespmem:s11], [sflag:$0x1] =	stream.indirect_vreg.gather [hbm4b:s3+s2], $0x80, v41, vm0, $0xb8;
	[tilespmem:$0x2200] =	vst v63  }
0x88: {  	v47 =	vperm.xlane v19, v14;
	v46 =	vadd.s32 v5, v45;
	s11 =	sld [smem:$0x7ED]  }
0x89: {  	[tilespmem:s10], [sflag:$0x1] =	stream.indirect_vreg.gather [hbm4b:s3+s2], $0x80, v43, vm0, $0xb8;
	[tilespmem:$0x2200] =	vst v63  }
0x8a: {  	v49 =	vperm.xlane v19, v15;
	v48 =	vadd.s32 v5, v47;
	s10 =	sld [smem:$0x7EE]  }
0x8b: {  	[tilespmem:s11], [sflag:$0x1] =	stream.indirect_vreg.gather [hbm4b:s3+s2], $0x80, v20, vm0, $0xb8;
	[tilespmem:$0x2200] =	vst v63  }
0x8c: {  	v50 =	vperm.xlane v19, v16;
	s11 =	sld [smem:$0x7EF];
	v20 =	vadd.s32 v5, v49  }
0x8d: {  	[tilespmem:s10], [sflag:$0x1] =	stream.indirect_vreg.gather [hbm4b:s3+s2], $0x80, v46, vm0, $0xb8;
	[tilespmem:$0x2200] =	vst v63  }
0x8e: {  	v52 =	vperm.xlane v19, v17;
	v51 =	vadd.s32 v5, v50;
	s10 =	sld [smem:$0x7F0]  }
0x8f: {  	[tilespmem:s11], [sflag:$0x1] =	stream.indirect_vreg.gather [hbm4b:s3+s2], $0x80, v48, vm0, $0xb8;
	[tilespmem:$0x2200] =	vst v63  }
0x90: {  	v19 =	vperm.xlane v19, v18;
	v53 =	vadd.s32 v5, v52;
	s11 =	sld [smem:$0x7F1]  }
0x91: {  	[tilespmem:s10], [sflag:$0x1] =	stream.indirect_vreg.gather [hbm4b:s3+s2], $0x80, v20, vm0, $0xb8;
	[tilespmem:$0x2200] =	vst v63  }
0x92: {  	v19 =	vadd.s32 v5, v19;
	s10 =	sld [smem:$0x7F2]  }
0x93: {  	[tilespmem:s11], [sflag:$0x1] =	stream.indirect_vreg.gather [hbm4b:s3+s2], $0x80, v51, vm0, $0xb8;
	[tilespmem:$0x2200] =	vst v63  }
0x94: {  	s11 =	sld [smem:$0x7F3]  }
0x95: {  	[tilespmem:s10], [sflag:$0x1] =	stream.indirect_vreg.gather [hbm4b:s3+s2], $0x80, v53, vm0, $0xb8;
	[tilespmem:$0x2200] =	vst v63  }
0x96: {  	_ = 	snop  }
0x97: {  	[tilespmem:s11], [sflag:$0x1] =	stream.indirect_vreg.gather [hbm4b:s3+s2], $0x80, v19, vm0, $0xb8;
	[tilespmem:$0x2200] =	vst v63  }
0x98: {  	v19 =	vld [tilespmem:$0x80];
	_ =	sdelay $0x4  }
0x99: {  	v20 =	vshll.u32 v19, $0x3  }
0x9a: {  	v19 =	vand.u32 $0x7, v19;
	v20 =	vand.u32 $0xFFFFFFC0, v20  }
0x9b: {  	v19 =	vor.u32 v19, v20  }
0x9c: {  	v20 =	vperm.xlane v19, v4;
	_ =	sdelay $0x1  }
0x9d: {  	v54 =	vperm.xlane v19, v6;
	v20 =	vadd.s32 v5, v20;
	_ =	sdelay $0x1  }
0x9e: {  	v55 =	vperm.xlane v19, v7;
	v21 =	vadd.s32 v5, v54;
	_ =	sdelay $0x1  }
0x9f: {  	s9 =	sld [smem:$0x7F4];
	v56 =	vperm.xlane v19, v3;
	v22 =	vadd.s32 v5, v55  }
0xa0: {  	[tilespmem:s8], [sflag:$0x1] =	stream.indirect_vreg.gather [hbm4b:s4+s2], $0x80, v20, vm0, $0xb8;
	[tilespmem:$0x2200] =	vst v63  }
0xa1: {  	s10 =	sld [smem:$0x7F5];
	v57 =	vperm.xlane v19, v8;
	v20 =	vadd.s32 v5, v56  }
0xa2: {  	[tilespmem:s9], [sflag:$0x1] =	stream.indirect_vreg.gather [hbm4b:s4+s2], $0x80, v21, vm0, $0xb8;
	[tilespmem:$0x2200] =	vst v63  }
0xa3: {  	s11 =	sld [smem:$0x7F6];
	v59 =	vperm.xlane v19, v9;
	v58 =	vadd.s32 v5, v57  }
0xa4: {  	[tilespmem:s10], [sflag:$0x1] =	stream.indirect_vreg.gather [hbm4b:s4+s2], $0x80, v22, vm0, $0xb8;
	[tilespmem:$0x2200] =	vst v63  }
0xa5: {  	v61 =	vperm.xlane v19, v10;
	v60 =	vadd.s32 v5, v59;
	s10 =	sld [smem:$0x7F7]  }
0xa6: {  	[tilespmem:s11], [sflag:$0x1] =	stream.indirect_vreg.gather [hbm4b:s4+s2], $0x80, v20, vm0, $0xb8;
	[tilespmem:$0x2200] =	vst v63  }
0xa7: {  	v62 =	vperm.xlane v19, v2;
	s11 =	sld [smem:$0x7F8];
	v20 =	vadd.s32 v5, v61  }
0xa8: {  	[tilespmem:s10], [sflag:$0x1] =	stream.indirect_vreg.gather [hbm4b:s4+s2], $0x80, v58, vm0, $0xb8;
	[tilespmem:$0x2200] =	vst v63  }
0xa9: {  	v24 =	vperm.xlane v19, v11;
	v63 =	vadd.s32 v5, v62;
	s10 =	sld [smem:$0x7F9]  }
0xaa: {  	[tilespmem:s11], [sflag:$0x1] =	stream.indirect_vreg.gather [hbm4b:s4+s2], $0x80, v60, vm0, $0xb8;
	[tilespmem:$0x2200] =	vst v63  }
0xab: {  	v26 =	vperm.xlane v19, v12;
	v25 =	vadd.s32 v5, v24;
	s11 =	sld [smem:$0x7FA]  }
0xac: {  	[tilespmem:s10], [sflag:$0x1] =	stream.indirect_vreg.gather [hbm4b:s4+s2], $0x80, v20, vm0, $0xb8;
	[tilespmem:$0x2200] =	vst v63  }
0xad: {  	v27 =	vperm.xlane v19, v13;
	s10 =	sld [smem:$0x7FB];
	v20 =	vadd.s32 v5, v26  }
0xae: {  	[tilespmem:s11], [sflag:$0x1] =	stream.indirect_vreg.gather [hbm4b:s4+s2], $0x80, v63, vm0, $0xb8;
	[tilespmem:$0x2200] =	vst v63  }
0xaf: {  	v29 =	vperm.xlane v19, v14;
	v28 =	vadd.s32 v5, v27;
	s11 =	sld [smem:$0x7FC]  }
0xb0: {  	[tilespmem:s10], [sflag:$0x1] =	stream.indirect_vreg.gather [hbm4b:s4+s2], $0x80, v25, vm0, $0xb8;
	[tilespmem:$0x2200] =	vst v63  }
0xb1: {  	v31 =	vperm.xlane v19, v15;
	v30 =	vadd.s32 v5, v29;
	s10 =	sld [smem:$0x7FD]  }
0xb2: {  	[tilespmem:s11], [sflag:$0x1] =	stream.indirect_vreg.gather [hbm4b:s4+s2], $0x80, v20, vm0, $0xb8;
	[tilespmem:$0x2200] =	vst v63  }
0xb3: {  	v32 =	vperm.xlane v19, v16;
	v20 =	vadd.s32 v5, v31  }
0xb4: {  	[tilespmem:s10], [sflag:$0x1] =	stream.indirect_vreg.gather [hbm4b:s4+s2], $0x80, v28, vm0, $0xb8;
	[tilespmem:$0x2200] =	vst v63  }
0xb5: {  	v34 =	vperm.xlane v19, v17;
	v33 =	vadd.s32 v5, v32;
	s11 =	simm.s32 $0x1700  }
0xb6: {  	[tilespmem:s11], [sflag:$0x1] =	stream.indirect_vreg.gather [hbm4b:s4+s2], $0x80, v30, vm0, $0xb8;
	[tilespmem:$0x2200] =	vst v63  }
0xb7: {  	v19 =	vperm.xlane v19, v18;
	v35 =	vadd.s32 v5, v34;
	s9 =	simm.s32 $0x1780  }
0xb8: {  	[tilespmem:s9], [sflag:$0x1] =	stream.indirect_vreg.gather [hbm4b:s4+s2], $0x80, v20, vm0, $0xb8;
	[tilespmem:$0x2200] =	vst v63  }
0xb9: {  	v19 =	vadd.s32 v5, v19;
	s10 =	simm.s32 $0x1800  }
0xba: {  	[tilespmem:s10], [sflag:$0x1] =	stream.indirect_vreg.gather [hbm4b:s4+s2], $0x80, v33, vm0, $0xb8;
	[tilespmem:$0x2200] =	vst v63  }
0xbb: {  	_ = 	snop  }
0xbc: {  	[tilespmem:s12], [sflag:$0x1] =	stream.indirect_vreg.gather [hbm4b:s4+s2], $0x80, v35, vm0, $0xb8;
	[tilespmem:$0x2200] =	vst v63  }
0xbd: {  	_ = 	snop  }
0xbe: {  	[tilespmem:s13], [sflag:$0x1] =	stream.indirect_vreg.gather [hbm4b:s4+s2], $0x80, v19, vm0, $0xb8;
	[tilespmem:$0x2200] =	vst v63  }
0xbf: {  	v19 =	vld [tilespmem:$0x90];
	_ =	sdelay $0x4  }
0xc0: {  	v20 =	vshll.u32 v19, $0x3  }
0xc1: {  	v19 =	vand.u32 $0x7, v19;
	v20 =	vand.u32 $0xFFFFFFC0, v20  }
0xc2: {  	v19 =	vor.u32 v19, v20  }
0xc3: {  	v20 =	vperm.xlane v19, v4;
	_ =	sdelay $0x1  }
0xc4: {  	v36 =	vperm.xlane v19, v6;
	v20 =	vadd.s32 v5, v20;
	_ =	sdelay $0x1  }
0xc5: {  	v37 =	vperm.xlane v19, v7;
	v21 =	vadd.s32 v5, v36;
	_ =	sdelay $0x1  }
0xc6: {  	v38 =	vperm.xlane v19, v3;
	v22 =	vadd.s32 v5, v37  }
0xc7: {  	[tilespmem:s14], [sflag:$0x1] =	stream.indirect_vreg.gather [hbm4b:s4+s2], $0x80, v20, vm0, $0xb8;
	[tilespmem:$0x2200] =	vst v63  }
0xc8: {  	v39 =	vperm.xlane v19, v8;
	v20 =	vadd.s32 v5, v38  }
0xc9: {  	[tilespmem:s15], [sflag:$0x1] =	stream.indirect_vreg.gather [hbm4b:s4+s2], $0x80, v21, vm0, $0xb8;
	[tilespmem:$0x2200] =	vst v63  }
0xca: {  	v41 =	vperm.xlane v19, v9;
	v40 =	vadd.s32 v5, v39  }
0xcb: {  	[tilespmem:s16], [sflag:$0x1] =	stream.indirect_vreg.gather [hbm4b:s4+s2], $0x80, v22, vm0, $0xb8;
	[tilespmem:$0x2200] =	vst v63  }
0xcc: {  	v43 =	vperm.xlane v19, v10;
	v42 =	vadd.s32 v5, v41  }
0xcd: {  	[tilespmem:s17], [sflag:$0x1] =	stream.indirect_vreg.gather [hbm4b:s4+s2], $0x80, v20, vm0, $0xb8;
	[tilespmem:$0x2200] =	vst v63  }
0xce: {  	v44 =	vperm.xlane v19, v2;
	v20 =	vadd.s32 v5, v43  }
0xcf: {  	[tilespmem:s18], [sflag:$0x1] =	stream.indirect_vreg.gather [hbm4b:s4+s2], $0x80, v40, vm0, $0xb8;
	[tilespmem:$0x2200] =	vst v63  }
0xd0: {  	v46 =	vperm.xlane v19, v11;
	v45 =	vadd.s32 v5, v44  }
0xd1: {  	[tilespmem:s19], [sflag:$0x1] =	stream.indirect_vreg.gather [hbm4b:s4+s2], $0x80, v42, vm0, $0xb8;
	[tilespmem:$0x2200] =	vst v63  }
0xd2: {  	v48 =	vperm.xlane v19, v12;
	v47 =	vadd.s32 v5, v46  }
0xd3: {  	[tilespmem:s20], [sflag:$0x1] =	stream.indirect_vreg.gather [hbm4b:s4+s2], $0x80, v20, vm0, $0xb8;
	[tilespmem:$0x2200] =	vst v63  }
0xd4: {  	v49 =	vperm.xlane v19, v13;
	v20 =	vadd.s32 v5, v48  }
0xd5: {  	[tilespmem:s21], [sflag:$0x1] =	stream.indirect_vreg.gather [hbm4b:s4+s2], $0x80, v45, vm0, $0xb8;
	[tilespmem:$0x2200] =	vst v63  }
0xd6: {  	v51 =	vperm.xlane v19, v14;
	v50 =	vadd.s32 v5, v49  }
0xd7: {  	[tilespmem:s22], [sflag:$0x1] =	stream.indirect_vreg.gather [hbm4b:s4+s2], $0x80, v47, vm0, $0xb8;
	[tilespmem:$0x2200] =	vst v63  }
0xd8: {  	v53 =	vperm.xlane v19, v15;
	v52 =	vadd.s32 v5, v51  }
0xd9: {  	[tilespmem:s23], [sflag:$0x1] =	stream.indirect_vreg.gather [hbm4b:s4+s2], $0x80, v20, vm0, $0xb8;
	[tilespmem:$0x2200] =	vst v63  }
0xda: {  	v54 =	vperm.xlane v19, v16;
	v20 =	vadd.s32 v5, v53  }
0xdb: {  	[tilespmem:s24], [sflag:$0x1] =	stream.indirect_vreg.gather [hbm4b:s4+s2], $0x80, v50, vm0, $0xb8;
	[tilespmem:$0x2200] =	vst v63  }
0xdc: {  	v56 =	vperm.xlane v19, v17;
	v55 =	vadd.s32 v5, v54  }
0xdd: {  	[tilespmem:s25], [sflag:$0x1] =	stream.indirect_vreg.gather [hbm4b:s4+s2], $0x80, v52, vm0, $0xb8;
	[tilespmem:$0x2200] =	vst v63  }
0xde: {  	v19 =	vperm.xlane v19, v18;
	v57 =	vadd.s32 v5, v56  }
0xdf: {  	[tilespmem:s26], [sflag:$0x1] =	stream.indirect_vreg.gather [hbm4b:s4+s2], $0x80, v20, vm0, $0xb8;
	[tilespmem:$0x2200] =	vst v63  }
0xe0: {  	v19 =	vadd.s32 v5, v19  }
0xe1: {  	[tilespmem:s28], [sflag:$0x1] =	stream.indirect_vreg.gather [hbm4b:s4+s2], $0x80, v55, vm0, $0xb8;
	[tilespmem:$0x2200] =	vst v63  }
0xe2: {  	_ = 	snop  }
0xe3: {  	[tilespmem:s29], [sflag:$0x1] =	stream.indirect_vreg.gather [hbm4b:s4+s2], $0x80, v57, vm0, $0xb8;
	[tilespmem:$0x2200] =	vst v63  }
0xe4: {  	_ = 	snop  }
0xe5: {  	[tilespmem:s30], [sflag:$0x1] =	stream.indirect_vreg.gather [hbm4b:s4+s2], $0x80, v19, vm0, $0xb8;
	[tilespmem:$0x2200] =	vst v63  }
0xe6: {  	_ =	swait.ge [sflag:s6], $0x1000  }
0xe7: {  	[sflag:s6] =	ssyncset.done $0x0  }
0xe8: {  	[sflag:s6] =	ssyncadd.s32 $0xFFFFF000  }
0xe9: {  	_ =	swait.ge [sflag:s6], $0x1000  }
0xea: {  	[sflag:s6] =	ssyncset.done $0x0  }
0xeb: {  	[sflag:s6] =	ssyncadd.s32 $0xFFFFF000  }
0xec: {  	v19 =	vld [tilespmem:$0x100]  }
0xed: {  	v20 =	vld.idx.msk [tilespmem:v0+s7+$0x0], $0xffff  }
0xee: {  	v58 =	vld.idx.msk [tilespmem:v0+s8+$0x0], $0xffff  }
0xef: {  	v59 =	vld [tilespmem:$0x0];
	_ =	sdelay $0x1  }
0xf0: {  	v60 =	vsub.f32 $1.000000000e+00, v19;
	_ =	sdelay $0x1  }
0xf1: {  	v19 =	vmul.f32 v20, v19;
	v20 =	vmul.f32 v58, v60  }
0xf2: {  	vm1 =	vlt.s32 v59, $0x186A0  }
0xf3: {  	v19 =	vsel vm1, v19, v20  }
0xf4: {  	v19 =	vadd.f32 $9.999999960e-13, v19;
	_ =	sdelay $0x1  }
0xf5: {  	[tilespmem:$0x2180] =	vst v19;
	v19 =	vld [tilespmem:$0x110]  }
0xf6: {  	v20 =	vld.idx.msk [tilespmem:v1+s7+$0x0], $0xffff  }
0xf7: {  	v61 =	vld.idx.msk [tilespmem:v1+s8+$0x0], $0xffff  }
0xf8: {  	v62 =	vld [tilespmem:$0x10];
	_ =	sdelay $0x1  }
0xf9: {  	v63 =	vsub.f32 $1.000000000e+00, v19;
	_ =	sdelay $0x1  }
0xfa: {  	v19 =	vmul.f32 v20, v19;
	v20 =	vmul.f32 v61, v63  }
0xfb: {  	vm1 =	vlt.s32 v62, $0x186A0  }
0xfc: {  	v19 =	vsel vm1, v19, v20  }
0xfd: {  	v19 =	vadd.f32 $9.999999960e-13, v19  }
0xfe: {  	p0 =	sne.s32 s5, $0x1  }
.Ltmp0:
0xff: {  	s11 =	rddreg [dreg:$0xa];
	[tilespmem:$0x2190] =	vst v19;
	(pc) =	sbr.rel @p0 .LBB2_1-.Ltmp0, $4  }
0x100: {  	[hbm4b:s11+s2] =	stream.linear.scatter [tilespmem:s31], [sflag:$0x2], $0x20, $0x38;
	[tilespmem:$0x2200] =	vst v63  }
0x101: {  	_ =	swait.ge [sflag:s1], $0x20  }
0x102: {  	[sflag:s1] =	ssyncset.done $0x0  }
0x103: {  	s5 =	sadd.s32 $0xFFFFFFFF, s5;
	[sflag:s1] =	ssyncadd.s32 $0xFFFFFFE0  }
0x104: {  	_ =	sfence.sel $0x180000  }
0x105: {  	[bflag:$0x0] =	sbarrier.arrive $0xFFFF  }
0x106: {  	_ =	strace $0x90000047  }
0x107: {  	s0 =	stileid.u32;
	[bflag:$0x2] =	sbarrier.arrive $0xFFFF  }
0x108: {  	p0 =	sne.s32 s0, $0x0;
	s0 =	rddreg [dreg:$0x6]  }
0x109: {  	s0 =	sadd.s32 @!p0 $0x100000, s0  }
0x10a: {  	[sflag:s0] =	ssyncadd.tile.s32 @!p0 $0x1;
	_ =	shalt  }
.Lfunc_end2:
_tile_overlayer_lowered:
.L_overlay_start_2:
0x10b: {  	(tag) =	ssettag $0x2  }
0x10c: {  	s0 =	rddreg [dreg:$0x0];
	s2 =	stileid.u32  }
0x10d: {  	s1 =	rddreg [dreg:$0x1];
	p0 =	sne.s32 s2, $0x0  }
0x10e: {  	s3 =	rddreg [dreg:$0x2];
	[bflag:$0x3] =	sbarrier.arrive $0xFFFF;
	s2 =	simm.s32 @!p0 $0x1C02  }
0x10f: {  	[timem:s3], [sflag:s2] =	dma.local @!p0 [hbm:s0], s1  }
0x110: {  	s0 =	simm.s32 @!p0 $0x2  }
0x111: {  	_ =	swait.ge @!p0 [sflag:s0], s1  }
0x112: {  	s1 =	ssub.s32 @!p0 $0x0, s1;
	[sflag:s0] =	ssyncset.done @!p0 $0x0  }
0x113: {  	[sflag:s0] =	ssyncadd.s32 @!p0 s1  }
0x114: {  	[bflag:$0x3] =	sbarrier.arrive $0xFFFF  }
0x115: {  	_ =	shalt  }

</sc_bundles>
